<compile_context>
chip_gen: v7x
topology: tpu7x:2x2x1
jax: 0.10.2.dev20260603
libtpu: 0.0.44.dev20260713+nightly
codegen_flags: <defaults>
</compile_context>

<pallas_src>
import jax
import jax.numpy as jnp
from jax import lax
from jax.experimental import pallas as pl
from jax.experimental.pallas import tpu as pltpu
from jax.experimental.pallas import tpu_sc as plsc

N_ROWS = 16384
N_COLS = 26
D = 64
B = N_ROWS * N_COLS

NC = 2
NS = 16
NW = NC * NS

B_PER_W = B // NW
CH = 128
N_CHUNKS = B_PER_W // CH
assert N_CHUNKS * CH == B_PER_W
assert N_ROWS % CH == 0


def _body(table_hbm, idx_hbm, out_hbm, idx_v, rows, gsem0, gsem1, ssem0, ssem1):
    c = lax.axis_index("c")
    s = lax.axis_index("s")
    wid = s * NC + c
    base = wid * B_PER_W

    pltpu.sync_copy(idx_hbm.at[wid], idx_v)

    @pl.loop(0, N_CHUNKS, step=2)
    def _(k):
        g0 = pltpu.async_copy(table_hbm.at[idx_v.at[k]], rows.at[0], gsem0)
        g1 = pltpu.async_copy(table_hbm.at[idx_v.at[k + 1]], rows.at[1], gsem1)
        p0 = base + k * CH
        j0 = p0 // N_ROWS
        r0 = p0 % N_ROWS
        p1 = p0 + CH
        j1 = p1 // N_ROWS
        r1 = p1 % N_ROWS
        g0.wait()
        s0 = pltpu.async_copy(rows.at[0], out_hbm.at[pl.ds(r0, CH), j0], ssem0)
        g1.wait()
        s1 = pltpu.async_copy(rows.at[1], out_hbm.at[pl.ds(r1, CH), j1], ssem1)
        s0.wait()
        s1.wait()


@jax.jit
def _gather(xt_grouped, table):
    mesh = plsc.VectorSubcoreMesh(
        core_axis_name="c", subcore_axis_name="s", num_cores=NC, num_subcores=NS
    )
    run = pl.kernel(
        _body,
        out_type=jax.ShapeDtypeStruct((N_ROWS, 32, 128), jnp.float32),
        mesh=mesh,
        scratch_types=[
            pltpu.VMEM((N_CHUNKS, CH), jnp.int32),
            pltpu.VMEM((2, CH, 128), jnp.float32),
            pltpu.SemaphoreType.DMA,
            pltpu.SemaphoreType.DMA,
            pltpu.SemaphoreType.DMA,
            pltpu.SemaphoreType.DMA,
        ],
        compiler_params=pltpu.CompilerParams(use_tc_tiling_on_sc=False),
    )
    return run(table, xt_grouped)


def kernel(x, table):
    xt_grouped = jnp.reshape(jnp.transpose(x).astype(jnp.int32), (NW, N_CHUNKS, CH))
    table_pad = jnp.pad(table, ((0, 0), (0, 128 - D)))
    out_pad = _gather(xt_grouped, table_pad)
    return lax.slice(out_pad, (0, 0, 0), (N_ROWS, N_COLS, D))

# --- scband reference (transcript-rebuilt; emitter-appended) ---
"""Pipeline reference for scband-attr-embedding-31928786878487 (READ-ONLY COPY).

The authoritative reference and input builder live on the scoring server;
editing this copy changes nothing except your own understanding.
"""

import jax, jax.numpy as jnp
import numpy as np


def setup_inputs(seed: int = 0) -> dict:
    key = jax.random.key(seed)
    k_idx, k_tab = jax.random.split(key)
    x = jax.random.randint(k_idx, (16384, 26), 0, 1000000, dtype=jnp.int64 if jax.config.jax_enable_x64 else jnp.int32)
    table = jax.random.normal(k_tab, (1000000, 64), dtype=jnp.float32) * 0.02
    return {"x": x, "table": table}


def reference(x, table):
    # AttrEmbedding.forward: nn.Embedding lookup -> gather rows of the table
    return jnp.take(table, x, axis=0)

if __name__ == "__main__":
    import jax
    _d = setup_inputs()
    print(jax.jit(kernel)(*tuple(_d.values())))

</pallas_src>

<mosaic_0001>
#map = affine_map<(d0, d1) -> (0, 0)>
#map1 = affine_map<(d0, d1) -> (0, 0, 0)>
module attributes {stable_mosaic.version = 14 : i64} {
  func.func @_body(%arg0: i32, %arg1: i32, %arg2: memref<1000000x128xf32, #tpu.memory_space<hbm>>, %arg3: memref<32x104x128xi32, #tpu.memory_space<hbm>>, %arg4: memref<16384x32x128xf32, #tpu.memory_space<hbm>>, %arg5: memref<104x128xi32, #tpu.memory_space<vmem>>, %arg6: memref<2x128x128xf32, #tpu.memory_space<vmem>>, %arg7: memref<!tpu.dma_semaphore, #tpu.memory_space<semaphore_mem>>, %arg8: memref<!tpu.dma_semaphore, #tpu.memory_space<semaphore_mem>>, %arg9: memref<!tpu.dma_semaphore, #tpu.memory_space<semaphore_mem>>, %arg10: memref<!tpu.dma_semaphore, #tpu.memory_space<semaphore_mem>>) attributes {dimension_semantics = [#tpu.dimension_semantics<core_parallel>, #tpu.dimension_semantics<subcore_parallel>], iteration_bounds = array<i64: 2, 16>, scalar_prefetch = 0 : i64, scratch_operands = 6 : i64, tpu.core_type = #tpu.core_type<sc_vector_subcore>, window_params = [{transform_indices = #map}, {transform_indices = #map1}, {transform_indices = #map1}]} {
    %mul3A = arith.constant 2 : i32
    %mul3A_0 = arith.muli %arg1, %mul3A : i32
    %add3A = arith.addi %mul3A_0, %arg0 : i32
    %mul3A_1 = arith.constant 13312 : i32
    %mul3A_2 = arith.muli %add3A, %mul3A_1 : i32
    "tpu.region"() ({
      %run_scoped3A = tpu.sem_alloc : memref<!tpu.dma_semaphore, #tpu.memory_space<semaphore_mem>>
      %dma_start3A = arith.constant 0 : i32
      %dma_start3A_7 = arith.constant 0 : i32
      %dma_start3A_8 = tpu.memref_slice %arg3[%add3A, %dma_start3A, %dma_start3A_7] : memref<32x104x128xi32, #tpu.memory_space<hbm>> -> memref<1x104x128xi32, #tpu.memory_space<hbm>>
      %dma_start3A_9 = tpu.memref_squeeze %dma_start3A_8 : memref<1x104x128xi32, #tpu.memory_space<hbm>> -> memref<104x128xi32, #tpu.memory_space<hbm>>
      %dma_start3A_10 = arith.constant 0 : i32
      %dma_start3A_11 = arith.constant 0 : i32
      %dma_start3A_12 = tpu.memref_slice %arg3[%add3A, %dma_start3A_10, %dma_start3A_11] : memref<32x104x128xi32, #tpu.memory_space<hbm>> -> memref<1x104x128xi32, #tpu.memory_space<hbm>>
      %dma_start3A_13 = tpu.memref_squeeze %dma_start3A_12 : memref<1x104x128xi32, #tpu.memory_space<hbm>> -> memref<104x128xi32, #tpu.memory_space<hbm>>
      tpu.enqueue_dma source(%dma_start3A_13 : memref<104x128xi32, #tpu.memory_space<hbm>>) target(%arg5 : memref<104x128xi32, #tpu.memory_space<vmem>>) target_semaphore(%run_scoped3A : memref<!tpu.dma_semaphore, #tpu.memory_space<semaphore_mem>>)
      %dma_wait3A = arith.constant 0 : i32
      %dma_wait3A_14 = arith.constant 0 : i32
      %dma_wait3A_15 = tpu.memref_slice %arg3[%add3A, %dma_wait3A, %dma_wait3A_14] : memref<32x104x128xi32, #tpu.memory_space<hbm>> -> memref<1x104x128xi32, #tpu.memory_space<hbm>>
      %dma_wait3A_16 = tpu.memref_squeeze %dma_wait3A_15 : memref<1x104x128xi32, #tpu.memory_space<hbm>> -> memref<104x128xi32, #tpu.memory_space<hbm>>
      %dma_wait3A_17 = arith.constant 0 : i32
      %dma_wait3A_18 = arith.constant 0 : i32
      %dma_wait3A_19 = tpu.memref_slice %arg3[%add3A, %dma_wait3A_17, %dma_wait3A_18] : memref<32x104x128xi32, #tpu.memory_space<hbm>> -> memref<1x104x128xi32, #tpu.memory_space<hbm>>
      %dma_wait3A_20 = tpu.memref_squeeze %dma_wait3A_19 : memref<1x104x128xi32, #tpu.memory_space<hbm>> -> memref<104x128xi32, #tpu.memory_space<hbm>>
      tpu.wait_dma2 semaphore(%run_scoped3A : memref<!tpu.dma_semaphore, #tpu.memory_space<semaphore_mem>>) src(%dma_wait3A_20 : memref<104x128xi32, #tpu.memory_space<hbm>>) dst(%arg5 : memref<104x128xi32, #tpu.memory_space<vmem>>)
      tpu.yield
    }) : () -> ()
    %scan3A = arith.constant 0 : i32
    %scan3A_3 = arith.constant 52 : i32
    %scan3A_4 = arith.addi %scan3A, %scan3A_3 : i32
    %scan3A_5 = arith.constant 1 : i32
    scf.for %scan3A_7 = %scan3A to %scan3A_4 step %scan3A_5  : i32 {
      %mul3A_8 = arith.constant 2 : i32
      %mul3A_9 = arith.muli %scan3A_7, %mul3A_8 : i32
      %add3A_10 = arith.constant 0 : i32
      %add3A_11 = arith.addi %add3A_10, %mul3A_9 : i32
      %dma_start3A = arith.constant 0 : i32
      %dma_start3A_12 = arith.constant 0 : i32
      %dma_start3A_13 = arith.constant 0 : i32
      %dma_start3A_14 = tpu.memref_slice %arg6[%dma_start3A, %dma_start3A_12, %dma_start3A_13] : memref<2x128x128xf32, #tpu.memory_space<vmem>> -> memref<1x128x128xf32, #tpu.memory_space<vmem>>
      %dma_start3A_15 = tpu.memref_squeeze %dma_start3A_14 : memref<1x128x128xf32, #tpu.memory_space<vmem>> -> memref<128x128xf32, #tpu.memory_space<vmem>>
      %dma_start3A_16 = arith.constant 0 : i32
      %dma_start3A_17 = tpu.memref_slice %arg5[%add3A_11, %dma_start3A_16] : memref<104x128xi32, #tpu.memory_space<vmem>> -> memref<1x128xi32, #tpu.memory_space<vmem>>
      %dma_start3A_18 = tpu.memref_squeeze %dma_start3A_17 : memref<1x128xi32, #tpu.memory_space<vmem>> -> memref<128xi32, #tpu.memory_space<vmem>>
      %dma_start3A_19 = arith.constant 0 : i32
      %dma_start3A_20 = arith.constant 0 : i32
      %dma_start3A_21 = tpu.memref_slice %arg2[%dma_start3A_19, %dma_start3A_20] : memref<1000000x128xf32, #tpu.memory_space<hbm>> -> memref<1000000x128xf32, #tpu.memory_space<hbm>>
      tpu.enqueue_indirect_dma source(%dma_start3A_21 : memref<1000000x128xf32, #tpu.memory_space<hbm>>) target(%dma_start3A_15 : memref<128x128xf32, #tpu.memory_space<vmem>>) offsets(%dma_start3A_18 : memref<128xi32, #tpu.memory_space<vmem>>) semaphore(%arg7 : memref<!tpu.dma_semaphore, #tpu.memory_space<semaphore_mem>>)
      %add3A_22 = arith.constant 1 : i32
      %add3A_23 = arith.addi %add3A_11, %add3A_22 : i32
      %dma_start3A_24 = arith.constant 1 : i32
      %dma_start3A_25 = arith.constant 0 : i32
      %dma_start3A_26 = arith.constant 0 : i32
      %dma_start3A_27 = tpu.memref_slice %arg6[%dma_start3A_24, %dma_start3A_25, %dma_start3A_26] : memref<2x128x128xf32, #tpu.memory_space<vmem>> -> memref<1x128x128xf32, #tpu.memory_space<vmem>>
      %dma_start3A_28 = tpu.memref_squeeze %dma_start3A_27 : memref<1x128x128xf32, #tpu.memory_space<vmem>> -> memref<128x128xf32, #tpu.memory_space<vmem>>
      %dma_start3A_29 = arith.constant 0 : i32
      %dma_start3A_30 = tpu.memref_slice %arg5[%add3A_23, %dma_start3A_29] : memref<104x128xi32, #tpu.memory_space<vmem>> -> memref<1x128xi32, #tpu.memory_space<vmem>>
      %dma_start3A_31 = tpu.memref_squeeze %dma_start3A_30 : memref<1x128xi32, #tpu.memory_space<vmem>> -> memref<128xi32, #tpu.memory_space<vmem>>
      %dma_start3A_32 = arith.constant 0 : i32
      %dma_start3A_33 = arith.constant 0 : i32
      %dma_start3A_34 = tpu.memref_slice %arg2[%dma_start3A_32, %dma_start3A_33] : memref<1000000x128xf32, #tpu.memory_space<hbm>> -> memref<1000000x128xf32, #tpu.memory_space<hbm>>
      tpu.enqueue_indirect_dma source(%dma_start3A_34 : memref<1000000x128xf32, #tpu.memory_space<hbm>>) target(%dma_start3A_28 : memref<128x128xf32, #tpu.memory_space<vmem>>) offsets(%dma_start3A_31 : memref<128xi32, #tpu.memory_space<vmem>>) semaphore(%arg8 : memref<!tpu.dma_semaphore, #tpu.memory_space<semaphore_mem>>)
      %mul3A_35 = arith.constant 128 : i32
      %mul3A_36 = arith.muli %add3A_11, %mul3A_35 : i32
      %add3A_37 = arith.addi %mul3A_2, %mul3A_36 : i32
      %jit3A = arith.constant 16384 : i32
      %div3A = arith.divsi %add3A_37, %jit3A : i32
      %sign3A = arith.constant 0 : i32
      %sign3A_38 = arith.cmpi sgt, %add3A_37, %sign3A : i32
      %sign3A_39 = arith.extui %sign3A_38 : i1 to i32
      %sign3A_40 = arith.constant 0 : i32
      %sign3A_41 = arith.cmpi slt, %add3A_37, %sign3A_40 : i32
      %sign3A_42 = arith.extui %sign3A_41 : i1 to i32
      %sign3A_43 = arith.subi %sign3A_39, %sign3A_42 : i32
      %sign3A_44 = arith.constant 0 : i32
      %sign3A_45 = arith.cmpi sgt, %jit3A, %sign3A_44 : i32
      %sign3A_46 = arith.extui %sign3A_45 : i1 to i32
      %sign3A_47 = arith.constant 0 : i32
      %sign3A_48 = arith.cmpi slt, %jit3A, %sign3A_47 : i32
      %sign3A_49 = arith.extui %sign3A_48 : i1 to i32
      %sign3A_50 = arith.subi %sign3A_46, %sign3A_49 : i32
      %ne3A = arith.cmpi ne, %sign3A_43, %sign3A_50 : i32
      %rem3A = arith.remsi %add3A_37, %jit3A : i32
      %ne3A_51 = arith.constant 0 : i32
      %ne3A_52 = arith.cmpi ne, %rem3A, %ne3A_51 : i32
      %and3A = arith.andi %ne3A, %ne3A_52 : i1
      %sub3A = arith.constant 1 : i32
      %sub3A_53 = arith.subi %div3A, %sub3A : i32
      %select_n3A = arith.select %and3A, %sub3A_53, %div3A : i32
      %jit3A_54 = arith.constant 16384 : i32
      %eq3A = arith.constant 0 : i32
      %eq3A_55 = arith.cmpi eq, %jit3A_54, %eq3A : i32
      %jit3A_56 = arith.constant 1 : i32
      %select_n3A_57 = arith.select %eq3A_55, %jit3A_56, %jit3A_54 : i32
      %rem3A_58 = arith.remsi %add3A_37, %select_n3A_57 : i32
      %ne3A_59 = arith.constant 0 : i32
      %ne3A_60 = arith.cmpi ne, %rem3A_58, %ne3A_59 : i32
      %lt3A = arith.constant 0 : i32
      %lt3A_61 = arith.cmpi slt, %rem3A_58, %lt3A : i32
      %lt3A_62 = arith.constant 0 : i32
      %lt3A_63 = arith.cmpi slt, %select_n3A_57, %lt3A_62 : i32
      %ne3A_64 = arith.xori %lt3A_61, %lt3A_63 : i1
      %and3A_65 = arith.andi %ne3A_64, %ne3A_60 : i1
      %add3A_66 = arith.addi %rem3A_58, %select_n3A_57 : i32
      %select_n3A_67 = arith.select %and3A_65, %add3A_66, %rem3A_58 : i32
      %add3A_68 = arith.constant 128 : i32
      %add3A_69 = arith.addi %add3A_37, %add3A_68 : i32
      %jit3A_70 = arith.constant 16384 : i32
      %div3A_71 = arith.divsi %add3A_69, %jit3A_70 : i32
      %sign3A_72 = arith.constant 0 : i32
      %sign3A_73 = arith.cmpi sgt, %add3A_69, %sign3A_72 : i32
      %sign3A_74 = arith.extui %sign3A_73 : i1 to i32
      %sign3A_75 = arith.constant 0 : i32
      %sign3A_76 = arith.cmpi slt, %add3A_69, %sign3A_75 : i32
      %sign3A_77 = arith.extui %sign3A_76 : i1 to i32
      %sign3A_78 = arith.subi %sign3A_74, %sign3A_77 : i32
      %sign3A_79 = arith.constant 0 : i32
      %sign3A_80 = arith.cmpi sgt, %jit3A_70, %sign3A_79 : i32
      %sign3A_81 = arith.extui %sign3A_80 : i1 to i32
      %sign3A_82 = arith.constant 0 : i32
      %sign3A_83 = arith.cmpi slt, %jit3A_70, %sign3A_82 : i32
      %sign3A_84 = arith.extui %sign3A_83 : i1 to i32
      %sign3A_85 = arith.subi %sign3A_81, %sign3A_84 : i32
      %ne3A_86 = arith.cmpi ne, %sign3A_78, %sign3A_85 : i32
      %rem3A_87 = arith.remsi %add3A_69, %jit3A_70 : i32
      %ne3A_88 = arith.constant 0 : i32
      %ne3A_89 = arith.cmpi ne, %rem3A_87, %ne3A_88 : i32
      %and3A_90 = arith.andi %ne3A_86, %ne3A_89 : i1
      %sub3A_91 = arith.constant 1 : i32
      %sub3A_92 = arith.subi %div3A_71, %sub3A_91 : i32
      %select_n3A_93 = arith.select %and3A_90, %sub3A_92, %div3A_71 : i32
      %jit3A_94 = arith.constant 16384 : i32
      %eq3A_95 = arith.constant 0 : i32
      %eq3A_96 = arith.cmpi eq, %jit3A_94, %eq3A_95 : i32
      %jit3A_97 = arith.constant 1 : i32
      %select_n3A_98 = arith.select %eq3A_96, %jit3A_97, %jit3A_94 : i32
      %rem3A_99 = arith.remsi %add3A_69, %select_n3A_98 : i32
      %ne3A_100 = arith.constant 0 : i32
      %ne3A_101 = arith.cmpi ne, %rem3A_99, %ne3A_100 : i32
      %lt3A_102 = arith.constant 0 : i32
      %lt3A_103 = arith.cmpi slt, %rem3A_99, %lt3A_102 : i32
      %lt3A_104 = arith.constant 0 : i32
      %lt3A_105 = arith.cmpi slt, %select_n3A_98, %lt3A_104 : i32
      %ne3A_106 = arith.xori %lt3A_103, %lt3A_105 : i1
      %and3A_107 = arith.andi %ne3A_106, %ne3A_101 : i1
      %add3A_108 = arith.addi %rem3A_99, %select_n3A_98 : i32
      %select_n3A_109 = arith.select %and3A_107, %add3A_108, %rem3A_99 : i32
      %dma_wait3A = arith.constant 0 : i32
      %dma_wait3A_110 = arith.constant 0 : i32
      %dma_wait3A_111 = arith.constant 0 : i32
      %dma_wait3A_112 = tpu.memref_slice %arg6[%dma_wait3A, %dma_wait3A_110, %dma_wait3A_111] : memref<2x128x128xf32, #tpu.memory_space<vmem>> -> memref<1x128x128xf32, #tpu.memory_space<vmem>>
      %dma_wait3A_113 = tpu.memref_squeeze %dma_wait3A_112 : memref<1x128x128xf32, #tpu.memory_space<vmem>> -> memref<128x128xf32, #tpu.memory_space<vmem>>
      %dma_wait3A_114 = arith.constant 0 : i32
      %dma_wait3A_115 = tpu.memref_slice %arg5[%add3A_11, %dma_wait3A_114] : memref<104x128xi32, #tpu.memory_space<vmem>> -> memref<1x128xi32, #tpu.memory_space<vmem>>
      %dma_wait3A_116 = tpu.memref_squeeze %dma_wait3A_115 : memref<1x128xi32, #tpu.memory_space<vmem>> -> memref<128xi32, #tpu.memory_space<vmem>>
      %dma_wait3A_117 = arith.constant 0 : i32
      %dma_wait3A_118 = arith.constant 0 : i32
      %dma_wait3A_119 = tpu.memref_slice %arg2[%dma_wait3A_117, %dma_wait3A_118] : memref<1000000x128xf32, #tpu.memory_space<hbm>> -> memref<1000000x128xf32, #tpu.memory_space<hbm>>
      tpu.wait_indirect_dma semaphore(%arg7 : memref<!tpu.dma_semaphore, #tpu.memory_space<semaphore_mem>>) src(%dma_wait3A_119 : memref<1000000x128xf32, #tpu.memory_space<hbm>>) dst(%dma_wait3A_113 : memref<128x128xf32, #tpu.memory_space<vmem>>)
      %dma_start3A_120 = arith.constant 0 : i32
      %dma_start3A_121 = arith.constant 0 : i32
      %dma_start3A_122 = arith.constant 0 : i32
      %dma_start3A_123 = tpu.memref_slice %arg6[%dma_start3A_120, %dma_start3A_121, %dma_start3A_122] : memref<2x128x128xf32, #tpu.memory_space<vmem>> -> memref<1x128x128xf32, #tpu.memory_space<vmem>>
      %dma_start3A_124 = tpu.memref_squeeze %dma_start3A_123 : memref<1x128x128xf32, #tpu.memory_space<vmem>> -> memref<128x128xf32, #tpu.memory_space<vmem>>
      %dma_start3A_125 = arith.constant 0 : i32
      %dma_start3A_126 = tpu.memref_slice %arg4[%select_n3A_67, %select_n3A, %dma_start3A_125] : memref<16384x32x128xf32, #tpu.memory_space<hbm>> -> memref<128x1x128xf32, #tpu.memory_space<hbm>>
      %dma_start3A_127 = tpu.memref_squeeze %dma_start3A_126 : memref<128x1x128xf32, #tpu.memory_space<hbm>> -> memref<128x128xf32, #tpu.memory_space<hbm>>
      %dma_start3A_128 = arith.constant 0 : i32
      %dma_start3A_129 = tpu.memref_slice %arg4[%select_n3A_67, %select_n3A, %dma_start3A_128] : memref<16384x32x128xf32, #tpu.memory_space<hbm>> -> memref<128x1x128xf32, #tpu.memory_space<hbm>>
      %dma_start3A_130 = tpu.memref_squeeze %dma_start3A_129 : memref<128x1x128xf32, #tpu.memory_space<hbm>> -> memref<128x128xf32, #tpu.memory_space<hbm>>
      %dma_start3A_131 = arith.constant 0 : i32
      %dma_start3A_132 = arith.constant 0 : i32
      %dma_start3A_133 = tpu.memref_slice %arg6[%dma_start3A_120, %dma_start3A_131, %dma_start3A_132] : memref<2x128x128xf32, #tpu.memory_space<vmem>> -> memref<1x128x128xf32, #tpu.memory_space<vmem>>
      %dma_start3A_134 = tpu.memref_squeeze %dma_start3A_133 : memref<1x128x128xf32, #tpu.memory_space<vmem>> -> memref<128x128xf32, #tpu.memory_space<vmem>>
      tpu.enqueue_dma source(%dma_start3A_134 : memref<128x128xf32, #tpu.memory_space<vmem>>) target(%dma_start3A_130 : memref<128x128xf32, #tpu.memory_space<hbm>>) target_semaphore(%arg9 : memref<!tpu.dma_semaphore, #tpu.memory_space<semaphore_mem>>)
      %dma_wait3A_135 = arith.constant 1 : i32
      %dma_wait3A_136 = arith.constant 0 : i32
      %dma_wait3A_137 = arith.constant 0 : i32
      %dma_wait3A_138 = tpu.memref_slice %arg6[%dma_wait3A_135, %dma_wait3A_136, %dma_wait3A_137] : memref<2x128x128xf32, #tpu.memory_space<vmem>> -> memref<1x128x128xf32, #tpu.memory_space<vmem>>
      %dma_wait3A_139 = tpu.memref_squeeze %dma_wait3A_138 : memref<1x128x128xf32, #tpu.memory_space<vmem>> -> memref<128x128xf32, #tpu.memory_space<vmem>>
      %dma_wait3A_140 = arith.constant 0 : i32
      %dma_wait3A_141 = tpu.memref_slice %arg5[%add3A_23, %dma_wait3A_140] : memref<104x128xi32, #tpu.memory_space<vmem>> -> memref<1x128xi32, #tpu.memory_space<vmem>>
      %dma_wait3A_142 = tpu.memref_squeeze %dma_wait3A_141 : memref<1x128xi32, #tpu.memory_space<vmem>> -> memref<128xi32, #tpu.memory_space<vmem>>
      %dma_wait3A_143 = arith.constant 0 : i32
      %dma_wait3A_144 = arith.constant 0 : i32
      %dma_wait3A_145 = tpu.memref_slice %arg2[%dma_wait3A_143, %dma_wait3A_144] : memref<1000000x128xf32, #tpu.memory_space<hbm>> -> memref<1000000x128xf32, #tpu.memory_space<hbm>>
      tpu.wait_indirect_dma semaphore(%arg8 : memref<!tpu.dma_semaphore, #tpu.memory_space<semaphore_mem>>) src(%dma_wait3A_145 : memref<1000000x128xf32, #tpu.memory_space<hbm>>) dst(%dma_wait3A_139 : memref<128x128xf32, #tpu.memory_space<vmem>>)
      %dma_start3A_146 = arith.constant 1 : i32
      %dma_start3A_147 = arith.constant 0 : i32
      %dma_start3A_148 = arith.constant 0 : i32
      %dma_start3A_149 = tpu.memref_slice %arg6[%dma_start3A_146, %dma_start3A_147, %dma_start3A_148] : memref<2x128x128xf32, #tpu.memory_space<vmem>> -> memref<1x128x128xf32, #tpu.memory_space<vmem>>
      %dma_start3A_150 = tpu.memref_squeeze %dma_start3A_149 : memref<1x128x128xf32, #tpu.memory_space<vmem>> -> memref<128x128xf32, #tpu.memory_space<vmem>>
      %dma_start3A_151 = arith.constant 0 : i32
      %dma_start3A_152 = tpu.memref_slice %arg4[%select_n3A_109, %select_n3A_93, %dma_start3A_151] : memref<16384x32x128xf32, #tpu.memory_space<hbm>> -> memref<128x1x128xf32, #tpu.memory_space<hbm>>
      %dma_start3A_153 = tpu.memref_squeeze %dma_start3A_152 : memref<128x1x128xf32, #tpu.memory_space<hbm>> -> memref<128x128xf32, #tpu.memory_space<hbm>>
      %dma_start3A_154 = arith.constant 0 : i32
      %dma_start3A_155 = tpu.memref_slice %arg4[%select_n3A_109, %select_n3A_93, %dma_start3A_154] : memref<16384x32x128xf32, #tpu.memory_space<hbm>> -> memref<128x1x128xf32, #tpu.memory_space<hbm>>
      %dma_start3A_156 = tpu.memref_squeeze %dma_start3A_155 : memref<128x1x128xf32, #tpu.memory_space<hbm>> -> memref<128x128xf32, #tpu.memory_space<hbm>>
      %dma_start3A_157 = arith.constant 0 : i32
      %dma_start3A_158 = arith.constant 0 : i32
      %dma_start3A_159 = tpu.memref_slice %arg6[%dma_start3A_146, %dma_start3A_157, %dma_start3A_158] : memref<2x128x128xf32, #tpu.memory_space<vmem>> -> memref<1x128x128xf32, #tpu.memory_space<vmem>>
      %dma_start3A_160 = tpu.memref_squeeze %dma_start3A_159 : memref<1x128x128xf32, #tpu.memory_space<vmem>> -> memref<128x128xf32, #tpu.memory_space<vmem>>
      tpu.enqueue_dma source(%dma_start3A_160 : memref<128x128xf32, #tpu.memory_space<vmem>>) target(%dma_start3A_156 : memref<128x128xf32, #tpu.memory_space<hbm>>) target_semaphore(%arg10 : memref<!tpu.dma_semaphore, #tpu.memory_space<semaphore_mem>>)
      %dma_wait3A_161 = arith.constant 0 : i32
      %dma_wait3A_162 = arith.constant 0 : i32
      %dma_wait3A_163 = arith.constant 0 : i32
      %dma_wait3A_164 = tpu.memref_slice %arg6[%dma_wait3A_161, %dma_wait3A_162, %dma_wait3A_163] : memref<2x128x128xf32, #tpu.memory_space<vmem>> -> memref<1x128x128xf32, #tpu.memory_space<vmem>>
      %dma_wait3A_165 = tpu.memref_squeeze %dma_wait3A_164 : memref<1x128x128xf32, #tpu.memory_space<vmem>> -> memref<128x128xf32, #tpu.memory_space<vmem>>
      %dma_wait3A_166 = arith.constant 0 : i32
      %dma_wait3A_167 = tpu.memref_slice %arg4[%select_n3A_67, %select_n3A, %dma_wait3A_166] : memref<16384x32x128xf32, #tpu.memory_space<hbm>> -> memref<128x1x128xf32, #tpu.memory_space<hbm>>
      %dma_wait3A_168 = tpu.memref_squeeze %dma_wait3A_167 : memref<128x1x128xf32, #tpu.memory_space<hbm>> -> memref<128x128xf32, #tpu.memory_space<hbm>>
      %dma_wait3A_169 = arith.constant 0 : i32
      %dma_wait3A_170 = tpu.memref_slice %arg4[%select_n3A_67, %select_n3A, %dma_wait3A_169] : memref<16384x32x128xf32, #tpu.memory_space<hbm>> -> memref<128x1x128xf32, #tpu.memory_space<hbm>>
      %dma_wait3A_171 = tpu.memref_squeeze %dma_wait3A_170 : memref<128x1x128xf32, #tpu.memory_space<hbm>> -> memref<128x128xf32, #tpu.memory_space<hbm>>
      %dma_wait3A_172 = arith.constant 0 : i32
      %dma_wait3A_173 = arith.constant 0 : i32
      %dma_wait3A_174 = tpu.memref_slice %arg6[%dma_wait3A_161, %dma_wait3A_172, %dma_wait3A_173] : memref<2x128x128xf32, #tpu.memory_space<vmem>> -> memref<1x128x128xf32, #tpu.memory_space<vmem>>
      %dma_wait3A_175 = tpu.memref_squeeze %dma_wait3A_174 : memref<1x128x128xf32, #tpu.memory_space<vmem>> -> memref<128x128xf32, #tpu.memory_space<vmem>>
      tpu.wait_dma2 semaphore(%arg9 : memref<!tpu.dma_semaphore, #tpu.memory_space<semaphore_mem>>) src(%dma_wait3A_175 : memref<128x128xf32, #tpu.memory_space<vmem>>) dst(%dma_wait3A_171 : memref<128x128xf32, #tpu.memory_space<hbm>>)
      %dma_wait3A_176 = arith.constant 1 : i32
      %dma_wait3A_177 = arith.constant 0 : i32
      %dma_wait3A_178 = arith.constant 0 : i32
      %dma_wait3A_179 = tpu.memref_slice %arg6[%dma_wait3A_176, %dma_wait3A_177, %dma_wait3A_178] : memref<2x128x128xf32, #tpu.memory_space<vmem>> -> memref<1x128x128xf32, #tpu.memory_space<vmem>>
      %dma_wait3A_180 = tpu.memref_squeeze %dma_wait3A_179 : memref<1x128x128xf32, #tpu.memory_space<vmem>> -> memref<128x128xf32, #tpu.memory_space<vmem>>
      %dma_wait3A_181 = arith.constant 0 : i32
      %dma_wait3A_182 = tpu.memref_slice %arg4[%select_n3A_109, %select_n3A_93, %dma_wait3A_181] : memref<16384x32x128xf32, #tpu.memory_space<hbm>> -> memref<128x1x128xf32, #tpu.memory_space<hbm>>
      %dma_wait3A_183 = tpu.memref_squeeze %dma_wait3A_182 : memref<128x1x128xf32, #tpu.memory_space<hbm>> -> memref<128x128xf32, #tpu.memory_space<hbm>>
      %dma_wait3A_184 = arith.constant 0 : i32
      %dma_wait3A_185 = tpu.memref_slice %arg4[%select_n3A_109, %select_n3A_93, %dma_wait3A_184] : memref<16384x32x128xf32, #tpu.memory_space<hbm>> -> memref<128x1x128xf32, #tpu.memory_space<hbm>>
      %dma_wait3A_186 = tpu.memref_squeeze %dma_wait3A_185 : memref<128x1x128xf32, #tpu.memory_space<hbm>> -> memref<128x128xf32, #tpu.memory_space<hbm>>
      %dma_wait3A_187 = arith.constant 0 : i32
      %dma_wait3A_188 = arith.constant 0 : i32
      %dma_wait3A_189 = tpu.memref_slice %arg6[%dma_wait3A_176, %dma_wait3A_187, %dma_wait3A_188] : memref<2x128x128xf32, #tpu.memory_space<vmem>> -> memref<1x128x128xf32, #tpu.memory_space<vmem>>
      %dma_wait3A_190 = tpu.memref_squeeze %dma_wait3A_189 : memref<1x128x128xf32, #tpu.memory_space<vmem>> -> memref<128x128xf32, #tpu.memory_space<vmem>>
      tpu.wait_dma2 semaphore(%arg10 : memref<!tpu.dma_semaphore, #tpu.memory_space<semaphore_mem>>) src(%dma_wait3A_190 : memref<128x128xf32, #tpu.memory_space<vmem>>) dst(%dma_wait3A_186 : memref<128x128xf32, #tpu.memory_space<hbm>>)
    }
    %scan3A_6 = arith.constant 52 : i32
    return
  }
}

</mosaic_0001>

<sc_bundles>
// kernel: _gather.3.cloned.1.call-start
scs
__scs_entry_jumppad:
0x0: {  	(pc) =	sbr.rel $0x88, $3  }
0x1: {  	(tag) =	ssettag $0x0;
	lr =	simm.s32 $0x1  }
0x2: {  	[smem:$0x3F9F] =	sst lr;
	_ =	strace $0xD0000000  }
0x3: {  	_ = 	snop  }
0x4: {  	_ = 	snop  }
0x5: {  	_ = 	snop  }
0x6: {  	_ = 	snop  }
0x7: {  	_ = 	snop  }
__scs_overlays_trampoline_lowered:
0x8: {  	[smem:$0x3FAE] =	sst s0  }
0x9: {  	[smem:$0x3FAF] =	sst s1  }
0xa: {  	[smem:$0x3FB0] =	sst s2  }
0xb: {  	[smem:$0x3FB1] =	sst s3  }
0xc: {  	[smem:$0x3FB2] =	sst s4  }
0xd: {  	[smem:$0x3FB3] =	sst s5  }
0xe: {  	[smem:$0x3FB4] =	sst s6  }
0xf: {  	[smem:$0x3FB5] =	sst s7  }
0x10: {  	[smem:$0x3FB6] =	sst s8  }
0x11: {  	[smem:$0x3FB7] =	sst s9;
	s0 =	simm.s32 @!p0 $0x0  }
0x12: {  	s1 =	sld [smem:$0x3F9D];
	s0 =	simm.s32 @p0 $0x1  }
0x13: {  	[smem:$0x3FB8] =	sst s0;
	s0 =	simm.s32 @!p1 $0x0  }
0x14: {  	s2 =	sld [smem:$0x3F9C];
	s0 =	simm.s32 @p1 $0x1  }
0x15: {  	[smem:$0x3FB9] =	sst s0;
	s0 =	simm.s32 @!p2 $0x0  }
0x16: {  	s3 =	sld [smem:$0x3FDB];
	s0 =	simm.s32 @p2 $0x1  }
0x17: {  	s4 =	simm.s32 $0x1BF5;
	[smem:$0x3FBB] =	sst s0  }
0x18: {  	s0 =	sld [smem:$0x3F9E];
	_ =	swait.ge [sflag:s4], $0x0  }
0x19: {  	s7 =	sld [smem:$0x3F9F]  }
0x1a: {  	s8 =	sadd.s32 $0xFFFFE003, lr  }
0x1b: {  	s9 =	sadd.s32 $0xFFFFFEF7, lr;
	s5 =	simm.s32 $0xFFFFFFFF;
	p2 =	slt.u32 s8, $0xFFFFF086  }
0x1c: {  	p1 =	slt.u32 s9, $0xF7A;
	s5 =	simm.s32 @!p2 $0x0  }
0x1d: {  	s5 =	simm.s32 @p1 $0x1;
	p0 =	seq.s32 s7, s2  }
0x1e: {  	s7 =	smul.u32 @!p0 $0xF7A, s2;
	p2 =	seq.s32 @!p0 s5, $0x0  }
0x1f: {  	s9 =	smul.u32 $0xF7A, s1;
	s8 =	simm.s32 @!p0 $0x1BF5;
	p2 =	por !p2, p0  }
0x20: {  	[sflag:s8] =	ssyncset.s32 @!p0 $0xFFFFF086;
	s6 =	sadd.s32 @!p0 s3, s7;
	s7 =	simm.s32 @!p0 $0x108  }
0x21: {  	s3 =	sadd.s32 s3, s9;
	s6 =	sadd.s32 @!p0 $0x88, s6;
	s7 =	simm.s32 @p2 $0x1082  }
0x22: {  	[simem:s7], [sflag:s8] =	dma.local @!p0 [hbm:s6], $0xF7A  }
0x23: {  	s9 =	sor.u32 $0xD0000000, s2;
	s6 =	simm.s32 $0x108;
	_ =	swait.ge @!p0 [sflag:s8], $0x0  }
0x24: {  	s3 =	sadd.s32 $0x88, s3;
	s6 =	simm.s32 @!p1 $0x1082;
	[sflag:s4] =	ssyncset.s32 $0xFFFFF086  }
0x25: {  	[simem:s6], [sflag:s4] =	dma.local [hbm:s3], $0xF7A  }
0x26: {  	[smem:$0x3F9F] =	sst s1;
	(tag) =	ssettag s2;
	_ =	strace s9  }
0x27: {  	s1 =	sld [smem:$0x3FAF]  }
0x28: {  	s2 =	sld [smem:$0x3FB0]  }
0x29: {  	s4 =	sld [smem:$0x3FB2]  }
0x2a: {  	p0 =	seq.s32 s5, $0x0;
	s5 =	sld [smem:$0x3FB3]  }
0x2b: {  	s6 =	sld [smem:$0x3FB4]  }
0x2c: {  	s7 =	sld [smem:$0x3FB5]  }
0x2d: {  	s3 =	simm.s32 $0x108;
	s8 =	sld [smem:$0x3FB6]  }
0x2e: {  	s3 =	simm.s32 @!p0 $0x1082;
	s9 =	sld [smem:$0x3FB7]  }
0x2f: {  	lr =	sadd.s32 s0, s3;
	s0 =	sld [smem:$0x3FAE]  }
0x30: {  	s3 =	sld [smem:$0x3FB1]  }
0x31: {  	[smem:$0x3FBA] =	sst s10  }
0x32: {  	s10 =	sld [smem:$0x3FB8];
	_ =	sdelay $0x3  }
0x33: {  	p0 =	seq.s32 s10, $0x1;
	s10 =	sld [smem:$0x3FBA];
	_ =	sdelay $0x3  }
0x34: {  	[smem:$0x3FBA] =	sst s10  }
0x35: {  	s10 =	sld [smem:$0x3FB9];
	_ =	sdelay $0x3  }
0x36: {  	p1 =	seq.s32 s10, $0x1;
	s10 =	sld [smem:$0x3FBA];
	_ =	sdelay $0x3  }
0x37: {  	[smem:$0x3FBA] =	sst s10  }
0x38: {  	s10 =	sld [smem:$0x3FBB]  }
0x39: {  	_ = 	snop;
	(pc) =	sbr.ind lr, $3  }
0x3a: {  	_ = 	snop  }
0x3b: {  	_ = 	snop  }
0x3c: {  	p2 =	seq.s32 s10, $0x1;
	s10 =	sld [smem:$0x3FBA]  }
0x3d: {  	_ =	shalt  }
0x3e: {  	_ =	shalt  }
0x3f: {  	_ =	shalt  }
0x40: {  	_ =	shalt  }
0x41: {  	_ =	shalt  }
0x42: {  	_ =	shalt  }
0x43: {  	_ =	shalt  }
0x44: {  	_ =	shalt  }
0x45: {  	_ =	shalt  }
0x46: {  	_ =	shalt  }
0x47: {  	_ =	shalt  }
0x48: {  	_ =	shalt  }
0x49: {  	_ =	shalt  }
0x4a: {  	_ =	shalt  }
0x4b: {  	_ =	shalt  }
0x4c: {  	_ =	shalt  }
0x4d: {  	_ =	shalt  }
0x4e: {  	_ =	shalt  }
0x4f: {  	_ =	shalt  }
0x50: {  	_ =	shalt  }
0x51: {  	_ =	shalt  }
0x52: {  	_ =	shalt  }
0x53: {  	_ =	shalt  }
0x54: {  	_ =	shalt  }
0x55: {  	_ =	shalt  }
0x56: {  	_ =	shalt  }
0x57: {  	_ =	shalt  }
0x58: {  	_ =	shalt  }
0x59: {  	_ =	shalt  }
0x5a: {  	_ =	shalt  }
0x5b: {  	_ =	shalt  }
0x5c: {  	_ =	shalt  }
0x5d: {  	_ =	shalt  }
0x5e: {  	_ =	shalt  }
0x5f: {  	_ =	shalt  }
0x60: {  	_ =	shalt  }
0x61: {  	_ =	shalt  }
0x62: {  	_ =	shalt  }
0x63: {  	_ =	shalt  }
0x64: {  	_ =	shalt  }
0x65: {  	_ =	shalt  }
0x66: {  	_ =	shalt  }
0x67: {  	_ =	shalt  }
0x68: {  	_ =	shalt  }
0x69: {  	_ =	shalt  }
0x6a: {  	_ =	shalt  }
0x6b: {  	_ =	shalt  }
0x6c: {  	_ =	shalt  }
0x6d: {  	_ =	shalt  }
0x6e: {  	_ =	shalt  }
0x6f: {  	_ =	shalt  }
0x70: {  	_ =	shalt  }
0x71: {  	_ =	shalt  }
0x72: {  	_ =	shalt  }
0x73: {  	_ =	shalt  }
0x74: {  	_ =	shalt  }
0x75: {  	_ =	shalt  }
0x76: {  	_ =	shalt  }
0x77: {  	_ =	shalt  }
0x78: {  	_ =	shalt  }
0x79: {  	_ =	shalt  }
0x7a: {  	_ =	shalt  }
0x7b: {  	_ =	shalt  }
0x7c: {  	_ =	shalt  }
0x7d: {  	_ =	shalt  }
0x7e: {  	_ =	shalt  }
0x7f: {  	_ =	shalt  }
0x80: {  	_ =	shalt  }
0x81: {  	_ =	shalt  }
0x82: {  	_ =	shalt  }
0x83: {  	_ =	shalt  }
0x84: {  	_ =	shalt  }
0x85: {  	_ =	shalt  }
0x86: {  	_ =	shalt  }
0x87: {  	_ =	shalt  }
.Lfunc_end0:
.L_simem_size_0:
called_computation_lowered:
.L_overlay_start_0:
0x88: {  	s2 =	sld [smem:$0x3FD9]  }
0x89: {  	s3 =	sld [smem:$0x3FFE];
	_ =	sdelay $0x1  }
0x8a: {  	s1 =	srdreg.scid  }
0x8b: {  	s0 =	sand.u32 $0x1, s1  }
0x8c: {  	s18 =	sshll.u32 s0, $0xA;
	s2 =	sadd.s32 s3, s2  }
0x8d: {  	s2 =	sadd.s32 s2, s18  }
0x8e: {  	[smem:$0x3FC6] =	sst s2  }
0x8f: {  	_ = 	snop  }
0x90: {  	s2 =	sld [smem:$0x3FC9]  }
0x91: {  	s19 =	sld [smem:$0x3FC8]  }
0x92: {  	s4 =	sld [smem:$0x3FD0];
	(tm) =	ssettm $0x1  }
0x93: {  	s5 =	sld [smem:$0x3FFB];
	_ =	sdelay $0x3  }
0x94: {  	_ =	strace s5  }
0x95: {  	s5 =	sld [smem:$0x3FFC];
	_ =	sdelay $0x3  }
0x96: {  	_ =	strace s5  }
0x97: {  	s5 =	sld [smem:$0x3FFD];
	_ =	sdelay $0x3  }
0x98: {  	_ =	strace s5  }
0x99: {  	_ =	strace $0x8FFFFFFF  }
0x9a: {  	s20 =	sld [smem:$0x3FDB];
	_ =	sdelay $0x1  }
0x9b: {  	s6 =	simm.s32 $_scs_section_size  }
0x9c: {  	s7 =	simm.s32 $_size__tile_overlayer_lowered;
	s8 =	simm.s32 $_tile_overlayer_lowered  }
0x9d: {  	s23 =	simm.s32 $0x1BFF;
	s22 =	sshll.u32 s8, $0x1;
	s5 =	sadd.s32 s6, s20  }
0x9e: {  	s9 =	simm.s32 $0x0;
	s21 =	sshll.u32 s7, $0x1;
	s7 =	sadd.s32 s22, s5  }
0x9f: {  	[timem:s9], [sflag:s23] =	dma.local [hbm:s7], s21  }
0xa0: {  	_ =	swait.ge [sflag:s23], s21  }
0xa1: {  	s6 =	ssub.s32 $0x0, s21;
	[sflag:s23] =	ssyncset.done $0x0  }
0xa2: {  	[sflag:s23] =	ssyncadd.s32 s6;
	_ =	sdelay $0x1  }
0xa3: {  	s24 =	simm.s32 $0x1B8B  }
0xa4: {  	_ =	swait.ge [sflag:s24], $0x1  }
0xa5: {  	[sflag:s24] =	ssyncset.done $0x0  }
0xa6: {  	s25 =	simm.s32 $0x1B8E;
	[sflag:s24] =	ssyncadd.s32 $0xFFFFFFFF  }
0xa7: {  	s26 =	simm.s32 $execute0_lowered;
	[smem:$0x3FD2] =	sst s25  }
0xa8: {  	s6 =	sshll.u32 s26, $0x1;
	_ =	strace $0x80000046;
	[dreg:$0x1] =	wrdreg $0xFFFFFFFF  }
0xa9: {  	s28 =	simm.s32 $_size_execute0_lowered;
	s5 =	sadd.s32 s5, s6;
	[dreg:$0x0] =	wrdreg $0x0  }
0xaa: {  	s6 =	sshll.u32 s28, $0x1;
	[dreg:$0x2] =	wrdreg s5  }
0xab: {  	[dreg:$0x3] =	wrdreg s6  }
0xac: {  	[dreg:$0x4] =	wrdreg $0xC0  }
0xad: {  	_ =	task [dreg:s9], $0x5FFFF  }
0xae: {  	[dreg:$0x1] =	wrdreg $0xFFFFFFFF  }
0xaf: {  	[dreg:$0x0] =	wrdreg $0x60  }
0xb0: {  	[dreg:$0x2] =	wrdreg s19  }
0xb1: {  	[dreg:$0x3] =	wrdreg s2  }
0xb2: {  	[dreg:$0x4] =	wrdreg s4  }
0xb3: {  	[dreg:$0x5] =	wrdreg $0x9  }
0xb4: {  	_ =	task.clear_ibuf [dreg:s9], $0x6FFFF;
	_ =	strace $0x90000046  }
0xb5: {  	s29 =	simm.s32 $0x9;
	_ =	strace $0x80000048  }
0xb6: {  	_ =	swait.ge [sflag:s29], $0x1  }
0xb7: {  	[sflag:s29] =	ssyncadd.s32 $0xFFFFFFFF  }
0xb8: {  	_ =	strace $0x90000048  }
0xb9: {  	_ =	sfence  }
0xba: {  	s30 =	sld [smem:$0x0];
	_ =	sdelay $0x2  }
0xbb: {  	s31 =	sshll.u32 s1, $0xD;
	s1 =	sshrl.u32 s1, $0x2  }
0xbc: {  	s3 =	sand.u32 $0x4000, s31;
	s1 =	sadd.s32 s1, s30  }
0xbd: {  	s0 =	sor.u32 s3, s0;
	s1 =	sshll.u32 s1, $0x11  }
0xbe: {  	s0 =	sor.u32 s1, s0  }
0xbf: {  	s0 =	sadd.s32 $0x8F2B, s0  }
0xc0: {  	[sflag:s0] =	ssyncadd.remote.s32 $0x1  }
0xc1: {  	_ =	sfence.sel $0xFFFF  }
0xc2: {  	[dreg:$0x0] =	wrdreg $0xFFFFFFFF;
	(pc) =	sbr.abs _section_cstart, $3  }
0xc3: {  	[dreg:$0x1] =	wrdreg $0xFFFFFFFF  }
0xc4: {  	_ =	task.clear_ibuf [dreg:s9], $0x2FFFF;
	_ =	strace $0x9FFFFFFF  }
0xc5: {  	(tm) =	ssettm $0x7FFFFFFF  }
tec
execute0_lowered:
.L_overlay_start_1:
0x0: {  	(tag) =	ssettag $0x1  }
0x1: {  	s1 =	rddreg [dreg:$0x0]  }
0x2: {  	s2 =	srdreg.scid;
	s6 =	rddreg [dreg:$0x1]  }
0x3: {  	s0 =	stileid.u32;
	s3 =	rddreg [dreg:$0x2];
	s4 =	simm.s32 $0x0  }
0x4: {  	s13 =	simm.s32 $0x1;
	s14 =	simm.s32 $0x1000;
	s15 =	simm.s32 $0x2  }
0x5: {  	s16 =	simm.s32 $0x3;
	s17 =	simm.s32 $0x4;
	s8 =	smul.u32 $0x6800, s0  }
0x6: {  	s18 =	simm.s32 $0x0;
	s5 =	sand.u32 $0x1, s2;
	s12 =	smul.u32 $0x6800000, s0  }
0x7: {  	s29 =	sshll.u32 s0, $0x1;
	[smem:$0x7FF] =	sst s4;
	s10 =	smul.u32 $0x3400, s5  }
0x8: {  	s2 =	sor.u32 s5, s29;
	s9 =	ssub.s32 $0x2, s5;
	s30 =	smul.u32 $0x3400000, s5  }
0x9: {  	s7 =	smul.u32 $0x3400, s2;
	s2 =	rddreg [dreg:$0x3];
	s11 =	sshrl.u32 s9, $0x1  }
0xa: {  	_ =	strace $0x80000047;
	s9 =	ssub.s32 s9, s11;
	s31 =	sadd.s32 s10, s8  }
0xb: {  	s8 =	sadd.s32 s30, s12;
	s10 =	simm.s32 $0x80;
	s7 =	sshrl.u32 s7, $0x3  }
0xc: {  	s11 =	simm.s32 $0x3400;
	s12 =	simm.s32 $0x7400;
	s5 =	sadd.s32 s6, s7  }
0xd: {  	s6 =	smax.u32 s9, $0x1;
	s7 =	sshrl.u32 s31, $0x7;
	s9 =	simm.s32 $0x5  }
.LBB2_1:
0xe: {  	[tilespmem:s4], [sflag:$0x5] =	stream.linear.gather [hbm4b:s5+s4], $0x3400, $0x38;
	[tilespmem:$0xB400] =	vst v63  }
0xf: {  	_ =	swait.ge [sflag:s9], $0x3400  }
0x10: {  	[sflag:s9] =	ssyncset.done $0x0  }
0x11: {  	s19 =	simm.s32 $0x0;
	s31 =	sadd.s32 $0x0, s7;
	[sflag:s9] =	ssyncadd.s32 $0xFFFFCC00  }
0x12: {  	[tilespmem:s11], [sflag:$0x1] =	stream.indirect.gather [hbm4b:s1+s10], $0x80, s19, s10, $0xb8;
	[tilespmem:$0xB400] =	vst v63  }
0x13: {  	s20 =	sand.u32 $0x3F00000, s8;
	s19 =	sand.u32 $0xFFFF80, s31  }
0x14: {  	[tilespmem:s12], [sflag:$0x2] =	stream.indirect.gather [hbm4b:s1+s10], $0x80, s10, s10, $0xb8;
	[tilespmem:$0xB400] =	vst v63  }
0x15: {  	s19 =	sadd.s32 s19, s20;
	_ =	swait.ge [sflag:s13], $0x4000  }
0x16: {  	s20 =	sshrl.u32 s19, $0x3;
	[sflag:s13] =	ssyncset.done $0x0  }
0x17: {  	s20 =	sadd.s32 s3, s20;
	[sflag:s13] =	ssyncadd.s32 $0xFFFFC000  }
0x18: {  	[hbm4b:s20+s10] =	stream.strided.scatter [tilespmem:s11], [sflag:$0x3], $0x4000, s14, s10, $0x38;
	[tilespmem:$0xB400] =	vst v63  }
0x19: {  	s19 =	sadd.s32 $0x80000, s19;
	_ =	swait.ge [sflag:s15], $0x4000  }
0x1a: {  	s19 =	sshrl.u32 s19, $0x3;
	[sflag:s15] =	ssyncset.done $0x0  }
0x1b: {  	s19 =	sadd.s32 s3, s19;
	[sflag:s15] =	ssyncadd.s32 $0xFFFFC000  }
0x1c: {  	[hbm4b:s19+s10] =	stream.strided.scatter [tilespmem:s12], [sflag:$0x4], $0x4000, s14, s10, $0x38;
	[tilespmem:$0xB400] =	vst v63  }
0x1d: {  	_ =	swait.ge [sflag:s16], $0x4000  }
0x1e: {  	[sflag:s16] =	ssyncset.done $0x0  }
0x1f: {  	s21 =	simm.s32 $0x80;
	[sflag:s16] =	ssyncadd.s32 $0xFFFFC000  }
0x20: {  	s20 =	smov.u32 s8;
	s19 =	simm.s32 $0x2;
	_ =	swait.ge [sflag:s17], $0x4000  }
.LBB2_2:
0x21: {  	[sflag:s17] =	ssyncset.done $0x0;
	s20 =	sadd.s32 $0x100000, s20;
	s21 =	sadd.s32 $0x100, s21  }
0x22: {  	p0 =	sne.s32 s19, $0x66;
	s22 =	sadd.s32 $0xFFFFFF80, s21;
	[sflag:s17] =	ssyncadd.s32 $0xFFFFC000  }
0x23: {  	[tilespmem:s11], [sflag:$0x1] =	stream.indirect.gather [hbm4b:s1+s10], $0x80, s22, s10, $0xb8;
	[tilespmem:$0xB400] =	vst v63  }
0x24: {  	s23 =	sadd.s32 s19, s7;
	s19 =	sadd.s32 $0x2, s19;
	s22 =	sand.u32 $0x3F00000, s20  }
0x25: {  	[tilespmem:s12], [sflag:$0x2] =	stream.indirect.gather [hbm4b:s1+s10], $0x80, s21, s10, $0xb8;
	[tilespmem:$0xB400] =	vst v63  }
0x26: {  	s23 =	sand.u32 $0xFFFF80, s23;
	_ =	swait.ge [sflag:s13], $0x4000  }
0x27: {  	s22 =	sadd.s32 s23, s22;
	[sflag:s13] =	ssyncset.done $0x0  }
0x28: {  	s23 =	sshrl.u32 s22, $0x3;
	s22 =	sadd.s32 $0x80000, s22;
	[sflag:s13] =	ssyncadd.s32 $0xFFFFC000  }
0x29: {  	s23 =	sadd.s32 s3, s23;
	s22 =	sshrl.u32 s22, $0x3  }
0x2a: {  	[hbm4b:s23+s10] =	stream.strided.scatter [tilespmem:s11], [sflag:$0x3], $0x4000, s14, s10, $0x38;
	[tilespmem:$0xB400] =	vst v63  }
0x2b: {  	_ =	swait.ge [sflag:s15], $0x4000  }
0x2c: {  	s22 =	sadd.s32 s3, s22;
	[sflag:s15] =	ssyncset.done $0x0  }
0x2d: {  	[sflag:s15] =	ssyncadd.s32 $0xFFFFC000  }
0x2e: {  	[hbm4b:s22+s10] =	stream.strided.scatter [tilespmem:s12], [sflag:$0x4], $0x4000, s14, s10, $0x38;
	[tilespmem:$0xB400] =	vst v63  }
.Ltmp0:
0x2f: {  	_ = 	snop;
	(pc) =	sbr.rel @p0 .LBB2_2-.Ltmp0, $4  }
0x30: {  	_ =	swait.ge [sflag:s16], $0x4000  }
0x31: {  	[sflag:s16] =	ssyncset.done $0x0  }
0x32: {  	[sflag:s16] =	ssyncadd.s32 $0xFFFFC000  }
0x33: {  	_ =	swait.ge [sflag:s17], $0x4000  }
0x34: {  	s18 =	sadd.s32 $0x1, s18  }
0x35: {  	p0 =	sne.s32 s18, s6  }
.Ltmp1:
0x36: {  	_ = 	snop;
	(pc) =	sbr.rel @p0 .LBB2_1-.Ltmp1, $3  }
0x37: {  	_ =	sdelay $0x1  }
0x38: {  	[sflag:s17] =	ssyncset.done $0x0  }
0x39: {  	[sflag:s17] =	ssyncadd.s32 $0xFFFFC000  }
0x3a: {  	_ =	sfence.sel $0x180000  }
0x3b: {  	[bflag:$0x0] =	sbarrier.arrive $0xFFFF  }
0x3c: {  	p0 =	sne.s32 s0, $0x0;
	_ =	strace $0x90000047  }
0x3d: {  	s0 =	sadd.s32 @!p0 $0x100000, s2;
	[bflag:$0x2] =	sbarrier.arrive $0xFFFF  }
0x3e: {  	[sflag:s0] =	ssyncadd.tile.s32 @!p0 $0x1;
	_ =	shalt  }
.Lfunc_end2:
_tile_overlayer_lowered:
.L_overlay_start_2:
0x3f: {  	(tag) =	ssettag $0x2  }
0x40: {  	s0 =	rddreg [dreg:$0x0];
	s2 =	stileid.u32  }
0x41: {  	s1 =	rddreg [dreg:$0x1];
	p0 =	sne.s32 s2, $0x0  }
0x42: {  	s3 =	rddreg [dreg:$0x2];
	[bflag:$0x3] =	sbarrier.arrive $0xFFFF;
	s2 =	simm.s32 @!p0 $0x1C05  }
0x43: {  	[timem:s3], [sflag:s2] =	dma.local @!p0 [hbm:s0], s1  }
0x44: {  	s0 =	simm.s32 @!p0 $0x5  }
0x45: {  	_ =	swait.ge @!p0 [sflag:s0], s1  }
0x46: {  	s1 =	ssub.s32 @!p0 $0x0, s1;
	[sflag:s0] =	ssyncset.done @!p0 $0x0  }
0x47: {  	[sflag:s0] =	ssyncadd.s32 @!p0 s1  }
0x48: {  	[bflag:$0x3] =	sbarrier.arrive $0xFFFF  }
0x49: {  	_ =	shalt  }

</sc_bundles>
